<compile_context>
chip_gen: v7x
topology: tpu7x:2x2x1
jax: 0.10.2.dev20260603
libtpu: 0.0.44.dev20260713+nightly
codegen_flags: <defaults>
</compile_context>

<pallas_src>
import functools

import numpy as np
import jax
import jax.numpy as jnp
from jax import lax
from jax.experimental import pallas as pl
from jax.experimental.pallas import tpu as pltpu
from jax.experimental.pallas import tpu_sc as plsc

_DIM = 3
_START = 384
_END = 704
_NORM = 1000.0
_MAX_CI = 3.0
_BIG = 3.0e38

_NC = 2
_NS = 16


def _cid_body(p_ref, s_ref, sband_ref, u64_ref, u63_ref, idx_ref):
    p = p_ref[:, :]
    s = s_ref[0, :]
    nwp = sband_ref.shape[1]
    nw = p.shape[1] - s.shape[0] + 1

    bbsz = p.shape[0]
    psq = p * p
    dcol = p[:, 1:] - p[:, :-1]
    dsq = dcol * dcol
    dpad = jnp.concatenate(
        [dsq, jnp.zeros((bbsz, 1), jnp.float32)], axis=1)

    zpad = jnp.zeros((bbsz, 64), jnp.bfloat16)

    def split3(v):
        a1 = v.astype(jnp.bfloat16)
        r1 = v - a1.astype(jnp.float32)
        a2 = r1.astype(jnp.bfloat16)
        r2 = r1 - a2.astype(jnp.float32)
        a3 = r2.astype(jnp.bfloat16)
        return jnp.concatenate([a1, zpad, a2, zpad, a3, zpad], axis=1)

    f32 = jnp.float32
    q = jnp.dot(split3(psq), u64_ref[:, :], preferred_element_type=f32)
    dw = jnp.dot(split3(dpad), u63_ref[:, :], preferred_element_type=f32)
    c = jnp.dot(p, sband_ref[:, :], precision=lax.Precision.HIGHEST)

    ssum = jnp.sum(s * s)
    sd = s[1:] - s[:-1]
    sci = jnp.sqrt(jnp.sum(sd * sd) + 1.0 / _NORM)

    ed = jnp.sqrt(jnp.maximum(q - 2.0 * c + ssum, 0.0))
    pci = jnp.sqrt(dw + 1.0 / _NORM)
    cf = jnp.minimum(jnp.maximum(pci, sci) / jnp.minimum(pci, sci), _MAX_CI)
    cid = ed * cf
    col = lax.broadcasted_iota(jnp.int32, cid.shape, 1)
    cid = jnp.where(col < nw, cid, _BIG)
    m = jnp.min(cid, axis=1, keepdims=True)
    cand = jnp.where(cid == m, col, jnp.int32(2**30))
    idx_ref[:, :] = jnp.min(cand, axis=1, keepdims=True)


def _make_retrieve(batch, pl_len, ls):
    nworkers = _NC * _NS
    rpw = batch // nworkers

    mesh = plsc.VectorSubcoreMesh(
        core_axis_name="c", subcore_axis_name="s",
        num_cores=_NC, num_subcores=_NS)

    @functools.partial(
        pl.kernel, mesh=mesh,
        compiler_params=pltpu.CompilerParams(
            needs_layout_passes=False, skip_device_barrier=True),
        out_type=jax.ShapeDtypeStruct((batch * ls,), jnp.float32),
        scratch_types=[
            pltpu.VMEM((rpw * pl_len,), jnp.float32),
            pltpu.VMEM((rpw + 16,), jnp.int32),
            pltpu.VMEM((rpw * ls,), jnp.float32),
            pltpu.SemaphoreType.DMA,
            pltpu.SemaphoreType.DMA,
        ],
    )
    def retrieve(p_hbm, idx_hbm, out_hbm, pv, iv, wv, sem_p, sem_i):
        wid = lax.axis_index("s") * _NC + lax.axis_index("c")
        base = wid * rpw
        cp = pltpu.async_copy(
            p_hbm.at[pl.ds(base * pl_len, rpw * pl_len)], pv, sem_p)
        ci = pltpu.async_copy(
            idx_hbm.at[pl.ds(base, rpw)], iv.at[pl.ds(0, rpw)], sem_i)
        ci.wait()
        cp.wait()

        lane = lax.iota(jnp.int32, 16)
        zero16 = jnp.zeros((16,), jnp.int32)
        dnums = lax.GatherDimensionNumbers(
            offset_dims=(), collapsed_slice_dims=(0,), start_index_map=(0,))

        def row(r, carry):
            ivec = iv[pl.ds(r, 16)]
            bc = lax.gather(ivec, zero16[:, None], dnums, (1,),
                            mode=lax.GatherScatterMode.PROMISE_IN_BOUNDS)
            rbase = bc + r * pl_len
            for j in range(ls // 16):
                inds = lane + rbase + (j * 16)
                wv[pl.ds(r * ls + j * 16, 16)] = plsc.load_gather(pv, [inds])
            return carry

        lax.fori_loop(0, rpw, row, 0)
        pltpu.sync_copy(wv, out_hbm.at[pl.ds(base * ls, rpw * ls)])

    return retrieve


def _embed_body(w_ref, W1_ref, b1_ref, s_ref, W2_ref, b2_ref, o_ref):
    hi = lax.Precision.HIGHEST
    win = w_ref[:, :]
    out_s = jnp.dot(s_ref[:, :], W2_ref[:, :].T, precision=hi) + b2_ref[0, :]
    out_i = jnp.dot(win, W1_ref[:, :].T, precision=hi) + b1_ref[0, :]
    o_ref[:, :] = out_i - out_s[0, :]


def kernel(x, shapelet, W1, b1, W2, b2):
    batch = x.shape[0]
    pl_len = _END - _START
    ls = shapelet.shape[0]
    nw = pl_len - ls + 1
    nwp = 384
    emb = W1.shape[0]
    bb = 256

    piss = x[:, _DIM, _START:_END]

    ti = np.arange(pl_len)[:, None]
    wi = np.arange(nwp)[None, :]
    rel = ti - wi
    u64np = ((rel >= 0) & (rel < ls) & (wi < nw)).astype(np.float32)
    u63np = ((rel >= 0) & (rel < ls - 1) & (wi < nw)).astype(np.float32)
    zrow = np.zeros((64, nwp), np.float32)

    def stack3(m):
        st = np.concatenate([m, zrow, m, zrow, m, zrow], axis=0)
        return jnp.asarray(st).astype(jnp.bfloat16)

    u64 = stack3(u64np)
    u63 = stack3(u63np)
    per = pl_len + nwp
    fv = jnp.zeros((per,), jnp.float32)
    fv = lax.dynamic_update_slice(fv, shapelet, (nwp - 1,))
    w2 = jnp.tile(fv, pl_len + 1)[: pl_len * (per + 1)].reshape(
        pl_len, per + 1)
    sband = w2[:, :nwp][:, ::-1]
    s2d = shapelet.reshape(1, ls)

    idx = pl.pallas_call(
        _cid_body,
        grid=(batch // bb,),
        in_specs=[
            pl.BlockSpec((bb, pl_len), lambda i: (i, 0)),
            pl.BlockSpec((1, ls), lambda i: (0, 0)),
            pl.BlockSpec((pl_len, nwp), lambda i: (0, 0)),
            pl.BlockSpec((3 * (pl_len + 64), nwp), lambda i: (0, 0)),
            pl.BlockSpec((3 * (pl_len + 64), nwp), lambda i: (0, 0)),
        ],
        out_specs=pl.BlockSpec((bb, 1), lambda i: (i, 0)),
        out_shape=jax.ShapeDtypeStruct((batch, 1), jnp.int32),
    )(piss, s2d, sband, u64, u63)

    retrieve = _make_retrieve(batch, pl_len, ls)
    win = retrieve(piss.reshape(-1), idx.reshape(-1)).reshape(batch, ls)

    out = pl.pallas_call(
        _embed_body,
        grid=(batch // bb,),
        in_specs=[
            pl.BlockSpec((bb, ls), lambda i: (i, 0)),
            pl.BlockSpec((emb, ls), lambda i: (0, 0)),
            pl.BlockSpec((1, emb), lambda i: (0, 0)),
            pl.BlockSpec((1, ls), lambda i: (0, 0)),
            pl.BlockSpec((emb, ls), lambda i: (0, 0)),
            pl.BlockSpec((1, emb), lambda i: (0, 0)),
        ],
        out_specs=pl.BlockSpec((bb, emb), lambda i: (i, 0)),
        out_shape=jax.ShapeDtypeStruct((batch, emb), jnp.float32),
    )(win, W1, b1.reshape(1, emb), s2d, W2, b2.reshape(1, emb))

    return out.reshape(batch, 1, emb)

# --- scband reference (transcript-rebuilt; emitter-appended) ---
"""Pipeline reference for scband-shape-block-34299608826088 (READ-ONLY COPY).

The authoritative reference and input builder live on the scoring server;
editing this copy changes nothing except your own understanding.
"""

import jax, jax.numpy as jnp
import numpy as np

B = 2048
NDIM = 8
LEN_TS = 2048
DIM = 3
START = 384
END = 704
LS = 64
NORM = 1000.0
MAX_CI = 3.0
EMB = 64
NW = (END - START) - LS + 1  # 257


def setup_inputs(seed: int = 0) -> dict:
    key = jax.random.key(seed)
    ks = jax.random.split(key, 4)
    x = jax.random.normal(ks[0], (B, NDIM, LEN_TS), dtype=jnp.float32)
    shapelet = jnp.sin(0.1 * jnp.arange(LS, dtype=jnp.float32))
    W1 = jax.random.normal(ks[1], (EMB, LS), dtype=jnp.float32) * 0.1
    b1 = jnp.zeros((EMB,), dtype=jnp.float32)
    W2 = jax.random.normal(ks[2], (EMB, LS), dtype=jnp.float32) * 0.1
    b2 = jnp.zeros((EMB,), dtype=jnp.float32)
    return {"x": x, "shapelet": shapelet, "W1": W1, "b1": b1, "W2": W2, "b2": b2}


def reference(x, shapelet, W1, b1, W2, b2):
    piss = x[:, DIM, START:END]                       # [B, 320]
    d = jnp.square(piss[:, 1:] - piss[:, :-1])        # [B, 319]
    widx = jnp.arange(NW)[:, None] + jnp.arange(LS)[None, :]
    pw = piss[:, widx]                                # [B, NW, LS] (unfold)
    pwf = pw.reshape(-1, LS)                          # [B*NW, LS]
    cidx = jnp.arange(NW)[:, None] + jnp.arange(LS - 1)[None, :]
    dc = d[:, cidx].reshape(-1, LS - 1)               # [B*NW, LS-1]
    piss_ci = jnp.sqrt(jnp.sum(dc, axis=1) + 1.0 / NORM)
    # shapelet_ci is computed from the initial numpy shapelet in torch (constant)
    shp_ci = jax.lax.stop_gradient(
        jnp.sqrt(jnp.sum(jnp.square(shapelet[1:] - shapelet[:-1])) + 1.0 / NORM)
    )
    max_ci = jnp.maximum(piss_ci, shp_ci)
    min_ci = jnp.minimum(piss_ci, shp_ci)
    CF = jnp.minimum(max_ci / min_ci, MAX_CI)
    ED = jnp.sqrt(jnp.sum(jnp.square(pwf - shapelet[None, :]), axis=1))
    CID = (ED * CF).reshape(B, NW)
    index = jnp.argmin(CID, axis=1)                   # [B] 1-NN retrieval
    out_i = pw[jnp.arange(B), index]                  # [B, LS] gather best window
    out_i = out_i @ W1.T + b1                         # l1
    out_s = shapelet[None, :] @ W2.T + b2             # l2
    out = out_i - out_s
    return out.reshape(B, 1, -1)

if __name__ == "__main__":
    import jax
    _d = setup_inputs()
    print(jax.jit(kernel)(*tuple(_d.values())))

</pallas_src>

<mosaic_0001>
#map = affine_map<(d0, d1) -> (0)>
module attributes {stable_mosaic.version = 14 : i64} {
  func.func @retrieve(%arg0: i32, %arg1: i32, %arg2: memref<655360xf32, #tpu.memory_space<hbm>>, %arg3: memref<2048xi32, #tpu.memory_space<hbm>>, %arg4: memref<131072xf32, #tpu.memory_space<hbm>>, %arg5: memref<20480xf32, #tpu.memory_space<vmem>>, %arg6: memref<80xi32, #tpu.memory_space<vmem>>, %arg7: memref<4096xf32, #tpu.memory_space<vmem>>, %arg8: memref<!tpu.dma_semaphore, #tpu.memory_space<semaphore_mem>>, %arg9: memref<!tpu.dma_semaphore, #tpu.memory_space<semaphore_mem>>) attributes {dimension_semantics = [#tpu.dimension_semantics<core_parallel>, #tpu.dimension_semantics<subcore_parallel>], iteration_bounds = array<i64: 2, 16>, scalar_prefetch = 0 : i64, scratch_operands = 5 : i64, tpu.core_type = #tpu.core_type<sc_vector_subcore>, window_params = [{transform_indices = #map}, {transform_indices = #map}, {transform_indices = #map}]} {
    %mul3A = arith.constant 2 : i32
    %mul3A_0 = arith.muli %arg1, %mul3A : i32
    %add3A = arith.addi %mul3A_0, %arg0 : i32
    %mul3A_1 = arith.constant 64 : i32
    %mul3A_2 = arith.muli %add3A, %mul3A_1 : i32
    %mul3A_3 = arith.constant 320 : i32
    %mul3A_4 = arith.muli %mul3A_2, %mul3A_3 : i32
    %dma_start3A = tpu.memref_slice %arg2[%mul3A_4] : memref<655360xf32, #tpu.memory_space<hbm>> -> memref<20480xf32, #tpu.memory_space<hbm>>
    %dma_start3A_5 = tpu.memref_slice %arg2[%mul3A_4] : memref<655360xf32, #tpu.memory_space<hbm>> -> memref<20480xf32, #tpu.memory_space<hbm>>
    tpu.enqueue_dma source(%dma_start3A_5 : memref<20480xf32, #tpu.memory_space<hbm>>) target(%arg5 : memref<20480xf32, #tpu.memory_space<vmem>>) target_semaphore(%arg8 : memref<!tpu.dma_semaphore, #tpu.memory_space<semaphore_mem>>)
    %dma_start3A_6 = arith.constant 0 : i32
    %dma_start3A_7 = tpu.memref_slice %arg6[%dma_start3A_6] : memref<80xi32, #tpu.memory_space<vmem>> -> memref<64xi32, #tpu.memory_space<vmem>>
    %dma_start3A_8 = tpu.memref_slice %arg3[%mul3A_2] : memref<2048xi32, #tpu.memory_space<hbm>> -> memref<64xi32, #tpu.memory_space<hbm>>
    %dma_start3A_9 = arith.constant 0 : i32
    %dma_start3A_10 = tpu.memref_slice %arg6[%dma_start3A_9] : memref<80xi32, #tpu.memory_space<vmem>> -> memref<64xi32, #tpu.memory_space<vmem>>
    %dma_start3A_11 = tpu.memref_slice %arg3[%mul3A_2] : memref<2048xi32, #tpu.memory_space<hbm>> -> memref<64xi32, #tpu.memory_space<hbm>>
    tpu.enqueue_dma source(%dma_start3A_11 : memref<64xi32, #tpu.memory_space<hbm>>) target(%dma_start3A_10 : memref<64xi32, #tpu.memory_space<vmem>>) target_semaphore(%arg9 : memref<!tpu.dma_semaphore, #tpu.memory_space<semaphore_mem>>)
    %dma_wait3A = arith.constant 0 : i32
    %dma_wait3A_12 = tpu.memref_slice %arg6[%dma_wait3A] : memref<80xi32, #tpu.memory_space<vmem>> -> memref<64xi32, #tpu.memory_space<vmem>>
    %dma_wait3A_13 = tpu.memref_slice %arg3[%mul3A_2] : memref<2048xi32, #tpu.memory_space<hbm>> -> memref<64xi32, #tpu.memory_space<hbm>>
    %dma_wait3A_14 = arith.constant 0 : i32
    %dma_wait3A_15 = tpu.memref_slice %arg6[%dma_wait3A_14] : memref<80xi32, #tpu.memory_space<vmem>> -> memref<64xi32, #tpu.memory_space<vmem>>
    %dma_wait3A_16 = tpu.memref_slice %arg3[%mul3A_2] : memref<2048xi32, #tpu.memory_space<hbm>> -> memref<64xi32, #tpu.memory_space<hbm>>
    tpu.wait_dma2 semaphore(%arg9 : memref<!tpu.dma_semaphore, #tpu.memory_space<semaphore_mem>>) src(%dma_wait3A_16 : memref<64xi32, #tpu.memory_space<hbm>>) dst(%dma_wait3A_15 : memref<64xi32, #tpu.memory_space<vmem>>)
    %dma_wait3A_17 = tpu.memref_slice %arg2[%mul3A_4] : memref<655360xf32, #tpu.memory_space<hbm>> -> memref<20480xf32, #tpu.memory_space<hbm>>
    %dma_wait3A_18 = tpu.memref_slice %arg2[%mul3A_4] : memref<655360xf32, #tpu.memory_space<hbm>> -> memref<20480xf32, #tpu.memory_space<hbm>>
    tpu.wait_dma2 semaphore(%arg8 : memref<!tpu.dma_semaphore, #tpu.memory_space<semaphore_mem>>) src(%dma_wait3A_18 : memref<20480xf32, #tpu.memory_space<hbm>>) dst(%arg5 : memref<20480xf32, #tpu.memory_space<vmem>>)
    %iota3A = tpu.iota {dimensions = array<i32: 0>} : vector<16xi32>
    %broadcast_in_dim3A = arith.constant 0 : i32
    %broadcast_in_dim3A_19 = vector.broadcast %broadcast_in_dim3A : i32 to vector<16xi32>
    %scan3A = arith.constant 0 : i32
    %scan3A_20 = arith.constant 0 : i32
    %scan3A_21 = arith.constant 64 : i32
    %scan3A_22 = arith.addi %scan3A_20, %scan3A_21 : i32
    %scan3A_23 = arith.constant 1 : i32
    scf.for %scan3A_27 = %scan3A_20 to %scan3A_22 step %scan3A_23  : i32 {
      %get3A = arith.index_cast %scan3A_27 : i32 to index
      %get3A_28 = tpu.vector_load %arg6[%get3A] {strides = array<i32>} : memref<80xi32, #tpu.memory_space<vmem>>, vector<16xi32>,
      %broadcast_in_dim3A_29 = vector.shape_cast %broadcast_in_dim3A_19 : vector<16xi32> to vector<16x1xi32>
      %gather3A = vector.shape_cast %broadcast_in_dim3A_29 : vector<16x1xi32> to vector<16xi32>
      %gather3A_30 = tpu.dynamic_gather %get3A_28[%gather3A] in [0] : vector<16xi32>, vector<16xi32> -> vector<16xi32>
      %mul3A_31 = arith.constant 320 : i32
      %mul3A_32 = arith.muli %scan3A_27, %mul3A_31 : i32
      %add3A_33 = vector.broadcast %mul3A_32 : i32 to vector<16xi32>
      %add3A_34 = arith.addi %gather3A_30, %add3A_33 : vector<16xi32>
      %add3A_35 = arith.addi %iota3A, %add3A_34 : vector<16xi32>
      %add3A_36 = arith.constant 0 : i32
      %add3A_37 = vector.broadcast %add3A_36 : i32 to vector<16xi32>
      %add3A_38 = arith.addi %add3A_35, %add3A_37 : vector<16xi32>
      %gather3A_39 = tpu.vector_load_idx %arg5[%add3A_38] : memref<20480xf32, #tpu.memory_space<vmem>>[vector<16xi32>], vector<16xf32>,
      %mul3A_40 = arith.constant 64 : i32
      %mul3A_41 = arith.muli %scan3A_27, %mul3A_40 : i32
      %add3A_42 = arith.constant 0 : i32
      %add3A_43 = arith.addi %mul3A_41, %add3A_42 : i32
      %swap3A = arith.index_cast %add3A_43 : i32 to index
      %swap3A_44 = tpu.vector_load %arg7[%swap3A] {strides = array<i32>} : memref<4096xf32, #tpu.memory_space<vmem>>, vector<16xf32>,
      tpu.vector_store %arg7[%swap3A], %gather3A_39 {strides = array<i32>} : memref<4096xf32, #tpu.memory_space<vmem>>, vector<16xf32>,
      %add3A_45 = arith.addi %iota3A, %add3A_34 : vector<16xi32>
      %add3A_46 = arith.constant 16 : i32
      %add3A_47 = vector.broadcast %add3A_46 : i32 to vector<16xi32>
      %add3A_48 = arith.addi %add3A_45, %add3A_47 : vector<16xi32>
      %gather3A_49 = tpu.vector_load_idx %arg5[%add3A_48] : memref<20480xf32, #tpu.memory_space<vmem>>[vector<16xi32>], vector<16xf32>,
      %mul3A_50 = arith.constant 64 : i32
      %mul3A_51 = arith.muli %scan3A_27, %mul3A_50 : i32
      %add3A_52 = arith.constant 16 : i32
      %add3A_53 = arith.addi %mul3A_51, %add3A_52 : i32
      %swap3A_54 = arith.index_cast %add3A_53 : i32 to index
      %swap3A_55 = tpu.vector_load %arg7[%swap3A_54] {strides = array<i32>} : memref<4096xf32, #tpu.memory_space<vmem>>, vector<16xf32>,
      tpu.vector_store %arg7[%swap3A_54], %gather3A_49 {strides = array<i32>} : memref<4096xf32, #tpu.memory_space<vmem>>, vector<16xf32>,
      %add3A_56 = arith.addi %iota3A, %add3A_34 : vector<16xi32>
      %add3A_57 = arith.constant 32 : i32
      %add3A_58 = vector.broadcast %add3A_57 : i32 to vector<16xi32>
      %add3A_59 = arith.addi %add3A_56, %add3A_58 : vector<16xi32>
      %gather3A_60 = tpu.vector_load_idx %arg5[%add3A_59] : memref<20480xf32, #tpu.memory_space<vmem>>[vector<16xi32>], vector<16xf32>,
      %mul3A_61 = arith.constant 64 : i32
      %mul3A_62 = arith.muli %scan3A_27, %mul3A_61 : i32
      %add3A_63 = arith.constant 32 : i32
      %add3A_64 = arith.addi %mul3A_62, %add3A_63 : i32
      %swap3A_65 = arith.index_cast %add3A_64 : i32 to index
      %swap3A_66 = tpu.vector_load %arg7[%swap3A_65] {strides = array<i32>} : memref<4096xf32, #tpu.memory_space<vmem>>, vector<16xf32>,
      tpu.vector_store %arg7[%swap3A_65], %gather3A_60 {strides = array<i32>} : memref<4096xf32, #tpu.memory_space<vmem>>, vector<16xf32>,
      %add3A_67 = arith.addi %iota3A, %add3A_34 : vector<16xi32>
      %add3A_68 = arith.constant 48 : i32
      %add3A_69 = vector.broadcast %add3A_68 : i32 to vector<16xi32>
      %add3A_70 = arith.addi %add3A_67, %add3A_69 : vector<16xi32>
      %gather3A_71 = tpu.vector_load_idx %arg5[%add3A_70] : memref<20480xf32, #tpu.memory_space<vmem>>[vector<16xi32>], vector<16xf32>,
      %mul3A_72 = arith.constant 64 : i32
      %mul3A_73 = arith.muli %scan3A_27, %mul3A_72 : i32
      %add3A_74 = arith.constant 48 : i32
      %add3A_75 = arith.addi %mul3A_73, %add3A_74 : i32
      %swap3A_76 = arith.index_cast %add3A_75 : i32 to index
      %swap3A_77 = tpu.vector_load %arg7[%swap3A_76] {strides = array<i32>} : memref<4096xf32, #tpu.memory_space<vmem>>, vector<16xf32>,
      tpu.vector_store %arg7[%swap3A_76], %gather3A_71 {strides = array<i32>} : memref<4096xf32, #tpu.memory_space<vmem>>, vector<16xf32>,
    }
    %scan3A_24 = arith.constant 64 : i32
    %mul3A_25 = arith.constant 64 : i32
    %mul3A_26 = arith.muli %mul3A_2, %mul3A_25 : i32
    "tpu.region"() ({
      %run_scoped3A = tpu.sem_alloc : memref<!tpu.dma_semaphore, #tpu.memory_space<semaphore_mem>>
      %dma_start3A_27 = tpu.memref_slice %arg4[%mul3A_26] : memref<131072xf32, #tpu.memory_space<hbm>> -> memref<4096xf32, #tpu.memory_space<hbm>>
      %dma_start3A_28 = tpu.memref_slice %arg4[%mul3A_26] : memref<131072xf32, #tpu.memory_space<hbm>> -> memref<4096xf32, #tpu.memory_space<hbm>>
      tpu.enqueue_dma source(%arg7 : memref<4096xf32, #tpu.memory_space<vmem>>) target(%dma_start3A_28 : memref<4096xf32, #tpu.memory_space<hbm>>) target_semaphore(%run_scoped3A : memref<!tpu.dma_semaphore, #tpu.memory_space<semaphore_mem>>)
      %dma_wait3A_29 = tpu.memref_slice %arg4[%mul3A_26] : memref<131072xf32, #tpu.memory_space<hbm>> -> memref<4096xf32, #tpu.memory_space<hbm>>
      %dma_wait3A_30 = tpu.memref_slice %arg4[%mul3A_26] : memref<131072xf32, #tpu.memory_space<hbm>> -> memref<4096xf32, #tpu.memory_space<hbm>>
      tpu.wait_dma2 semaphore(%run_scoped3A : memref<!tpu.dma_semaphore, #tpu.memory_space<semaphore_mem>>) src(%arg7 : memref<4096xf32, #tpu.memory_space<vmem>>) dst(%dma_wait3A_30 : memref<4096xf32, #tpu.memory_space<hbm>>)
      tpu.yield
    }) : () -> ()
    return
  }
}

module attributes {stable_mosaic.version = 14 : i64} {
  func.func @_cid_body(%arg0: i32, %arg1: memref<256x320xf32, #tpu.memory_space<vmem>>, %arg2: memref<1x64xf32, #tpu.memory_space<vmem>>, %arg3: memref<320x384xf32, #tpu.memory_space<vmem>>, %arg4: memref<1152x384xbf16, #tpu.memory_space<vmem>>, %arg5: memref<1152x384xbf16, #tpu.memory_space<vmem>>, %arg6: memref<256x1xi32, #tpu.memory_space<vmem>>) attributes {dimension_semantics = [#tpu.dimension_semantics<arbitrary>], iteration_bounds = array<i64: 8>, scalar_prefetch = 0 : i64, scratch_operands = 0 : i64, tpu.core_type = #tpu.core_type<tc>, window_params = [{transform_indices = @transform_0, window_bounds = array<i64: 256, 320>}, {pipeline_mode = #tpu.pipeline_mode<synchronous>, transform_indices = @transform_1, window_bounds = array<i64: 1, 64>}, {pipeline_mode = #tpu.pipeline_mode<synchronous>, transform_indices = @transform_2, window_bounds = array<i64: 320, 384>}, {pipeline_mode = #tpu.pipeline_mode<synchronous>, transform_indices = @transform_3, window_bounds = array<i64: 1152, 384>}, {pipeline_mode = #tpu.pipeline_mode<synchronous>, transform_indices = @transform_4, window_bounds = array<i64: 1152, 384>}, {transform_indices = @transform_5, window_bounds = array<i64: 256, 1>}]} {
    %get3A = arith.constant 0 : index
    %get3A_0 = arith.constant 0 : index
    %get3A_1 = vector.load %arg1[%get3A, %get3A_0] : memref<256x320xf32, #tpu.memory_space<vmem>>, vector<256x320xf32>
    %get3A_2 = arith.constant 0 : index
    %get3A_3 = arith.constant 0 : index
    %get3A_4 = vector.load %arg2[%get3A_2, %get3A_3] : memref<1x64xf32, #tpu.memory_space<vmem>>, vector<1x64xf32>
    %get3A_5 = vector.shape_cast %get3A_4 : vector<1x64xf32> to vector<64xf32>
    %mul3A = arith.mulf %get3A_1, %get3A_1 : vector<256x320xf32>
    %slice3A = vector.extract_strided_slice %get3A_1 {offsets = [0, 1], sizes = [256, 319], strides = [1, 1]} : vector<256x320xf32> to vector<256x319xf32>
    %slice3A_6 = vector.extract_strided_slice %get3A_1 {offsets = [0, 0], sizes = [256, 319], strides = [1, 1]} : vector<256x320xf32> to vector<256x319xf32>
    %sub3A = arith.subf %slice3A, %slice3A_6 : vector<256x319xf32>
    %mul3A_7 = arith.mulf %sub3A, %sub3A : vector<256x319xf32>
    %broadcast_in_dim3A = arith.constant 0.000000e+00 : f32
    %broadcast_in_dim3A_8 = vector.broadcast %broadcast_in_dim3A : f32 to vector<256x1xf32>
    %concatenate3A = tpu.concatenate %mul3A_7, %broadcast_in_dim3A_8 in 1 : vector<256x319xf32>, vector<256x1xf32> -> vector<256x320xf32>
    %broadcast_in_dim3A_9 = arith.constant 0.000000e+00 : bf16
    %broadcast_in_dim3A_10 = vector.broadcast %broadcast_in_dim3A_9 : bf16 to vector<256x64xbf16>
    %convert_element_type3A = arith.truncf %mul3A : vector<256x320xf32> to vector<256x320xbf16>
    %convert_element_type3A_11 = arith.extf %convert_element_type3A : vector<256x320xbf16> to vector<256x320xf32>
    %sub3A_12 = arith.subf %mul3A, %convert_element_type3A_11 : vector<256x320xf32>
    %convert_element_type3A_13 = arith.truncf %sub3A_12 : vector<256x320xf32> to vector<256x320xbf16>
    %convert_element_type3A_14 = arith.extf %convert_element_type3A_13 : vector<256x320xbf16> to vector<256x320xf32>
    %sub3A_15 = arith.subf %sub3A_12, %convert_element_type3A_14 : vector<256x320xf32>
    %convert_element_type3A_16 = arith.truncf %sub3A_15 : vector<256x320xf32> to vector<256x320xbf16>
    %concatenate3A_17 = tpu.concatenate %convert_element_type3A, %broadcast_in_dim3A_10, %convert_element_type3A_13, %broadcast_in_dim3A_10, %convert_element_type3A_16, %broadcast_in_dim3A_10 in 1 : vector<256x320xbf16>, vector<256x64xbf16>, vector<256x320xbf16>, vector<256x64xbf16>, vector<256x320xbf16>, vector<256x64xbf16> -> vector<256x1152xbf16>
    %get3A_18 = arith.constant 0 : index
    %get3A_19 = arith.constant 0 : index
    %get3A_20 = vector.load %arg4[%get3A_18, %get3A_19] : memref<1152x384xbf16, #tpu.memory_space<vmem>>, vector<1152x384xbf16>
    %dot_general3A = arith.constant dense<0.000000e+00> : vector<256x384xf32>
    %dot_general3A_21 = tpu.matmul %concatenate3A_17, %get3A_20, %dot_general3A {dimension_numbers = #tpu.dot_dimension_numbers<[1], [0], [0], [1], [0, 0, 1, 1], [], []>, transpose_lhs_hint = false} : vector<256x1152xbf16>, vector<1152x384xbf16>, vector<256x384xf32> -> vector<256x384xf32>
    %convert_element_type3A_22 = arith.truncf %concatenate3A : vector<256x320xf32> to vector<256x320xbf16>
    %convert_element_type3A_23 = arith.extf %convert_element_type3A_22 : vector<256x320xbf16> to vector<256x320xf32>
    %sub3A_24 = arith.subf %concatenate3A, %convert_element_type3A_23 : vector<256x320xf32>
    %convert_element_type3A_25 = arith.truncf %sub3A_24 : vector<256x320xf32> to vector<256x320xbf16>
    %convert_element_type3A_26 = arith.extf %convert_element_type3A_25 : vector<256x320xbf16> to vector<256x320xf32>
    %sub3A_27 = arith.subf %sub3A_24, %convert_element_type3A_26 : vector<256x320xf32>
    %convert_element_type3A_28 = arith.truncf %sub3A_27 : vector<256x320xf32> to vector<256x320xbf16>
    %concatenate3A_29 = tpu.concatenate %convert_element_type3A_22, %broadcast_in_dim3A_10, %convert_element_type3A_25, %broadcast_in_dim3A_10, %convert_element_type3A_28, %broadcast_in_dim3A_10 in 1 : vector<256x320xbf16>, vector<256x64xbf16>, vector<256x320xbf16>, vector<256x64xbf16>, vector<256x320xbf16>, vector<256x64xbf16> -> vector<256x1152xbf16>
    %get3A_30 = arith.constant 0 : index
    %get3A_31 = arith.constant 0 : index
    %get3A_32 = vector.load %arg5[%get3A_30, %get3A_31] : memref<1152x384xbf16, #tpu.memory_space<vmem>>, vector<1152x384xbf16>
    %dot_general3A_33 = arith.constant dense<0.000000e+00> : vector<256x384xf32>
    %dot_general3A_34 = tpu.matmul %concatenate3A_29, %get3A_32, %dot_general3A_33 {dimension_numbers = #tpu.dot_dimension_numbers<[1], [0], [0], [1], [0, 0, 1, 1], [], []>, transpose_lhs_hint = false} : vector<256x1152xbf16>, vector<1152x384xbf16>, vector<256x384xf32> -> vector<256x384xf32>
    %get3A_35 = arith.constant 0 : index
    %get3A_36 = arith.constant 0 : index
    %get3A_37 = vector.load %arg3[%get3A_35, %get3A_36] : memref<320x384xf32, #tpu.memory_space<vmem>>, vector<320x384xf32>
    %dot_general3A_38 = arith.constant dense<0.000000e+00> : vector<256x384xf32>
    %dot_general3A_39 = tpu.matmul %get3A_1, %get3A_37, %dot_general3A_38 {dimension_numbers = #tpu.dot_dimension_numbers<[1], [0], [0], [1], [0, 0, 1, 1], [], []>, precision = #tpu.contract_precision<fp32>, transpose_lhs_hint = false} : vector<256x320xf32>, vector<320x384xf32>, vector<256x384xf32> -> vector<256x384xf32>
    %mul3A_40 = arith.mulf %get3A_5, %get3A_5 : vector<64xf32>
    %reduce_sum3A = vector.shape_cast %mul3A_40 : vector<64xf32> to vector<1x64xf32>
    %reduce_sum3A_41 = arith.constant dense<0.000000e+00> : vector<1xf32>
    %reduce_sum3A_42 = vector.multi_reduction <add>, %reduce_sum3A, %reduce_sum3A_41 [1] : vector<1x64xf32> to vector<1xf32>
    %reduce_sum3A_43 = vector.shape_cast %reduce_sum3A_42 : vector<1xf32> to vector<1x1xf32>
    %reduce_sum3A_44 = vector.extract %reduce_sum3A_43[0, 0] : f32 from vector<1x1xf32>
    %slice3A_45 = vector.extract_strided_slice %get3A_5 {offsets = [1], sizes = [63], strides = [1]} : vector<64xf32> to vector<63xf32>
    %slice3A_46 = vector.extract_strided_slice %get3A_5 {offsets = [0], sizes = [63], strides = [1]} : vector<64xf32> to vector<63xf32>
    %sub3A_47 = arith.subf %slice3A_45, %slice3A_46 : vector<63xf32>
    %mul3A_48 = arith.mulf %sub3A_47, %sub3A_47 : vector<63xf32>
    %reduce_sum3A_49 = vector.shape_cast %mul3A_48 : vector<63xf32> to vector<1x63xf32>
    %reduce_sum3A_50 = arith.constant dense<0.000000e+00> : vector<1xf32>
    %reduce_sum3A_51 = vector.multi_reduction <add>, %reduce_sum3A_49, %reduce_sum3A_50 [1] : vector<1x63xf32> to vector<1xf32>
    %reduce_sum3A_52 = vector.shape_cast %reduce_sum3A_51 : vector<1xf32> to vector<1x1xf32>
    %reduce_sum3A_53 = vector.extract %reduce_sum3A_52[0, 0] : f32 from vector<1x1xf32>
    %add3A = arith.constant 1.000000e-03 : f32
    %add3A_54 = arith.addf %reduce_sum3A_53, %add3A : f32
    %sqrt3A = math.sqrt %add3A_54 : f32
    %mul3A_55 = arith.constant 2.000000e+00 : f32
    %mul3A_56 = vector.broadcast %mul3A_55 : f32 to vector<256x384xf32>
    %mul3A_57 = arith.mulf %mul3A_56, %dot_general3A_39 : vector<256x384xf32>
    %sub3A_58 = arith.subf %dot_general3A_21, %mul3A_57 : vector<256x384xf32>
    %add3A_59 = vector.broadcast %reduce_sum3A_44 : f32 to vector<256x384xf32>
    %add3A_60 = arith.addf %sub3A_58, %add3A_59 : vector<256x384xf32>
    %max3A = arith.constant 0.000000e+00 : f32
    %max3A_61 = vector.broadcast %max3A : f32 to vector<256x384xf32>
    %max3A_62 = arith.maximumf %add3A_60, %max3A_61 : vector<256x384xf32>
    %sqrt3A_63 = math.sqrt %max3A_62 : vector<256x384xf32>
    %add3A_64 = arith.constant 1.000000e-03 : f32
    %add3A_65 = vector.broadcast %add3A_64 : f32 to vector<256x384xf32>
    %add3A_66 = arith.addf %dot_general3A_34, %add3A_65 : vector<256x384xf32>
    %sqrt3A_67 = math.sqrt %add3A_66 : vector<256x384xf32>
    %max3A_68 = vector.broadcast %sqrt3A : f32 to vector<256x384xf32>
    %max3A_69 = arith.maximumf %sqrt3A_67, %max3A_68 : vector<256x384xf32>
    %min3A = vector.broadcast %sqrt3A : f32 to vector<256x384xf32>
    %min3A_70 = arith.minimumf %sqrt3A_67, %min3A : vector<256x384xf32>
    %div3A = arith.divf %max3A_69, %min3A_70 : vector<256x384xf32>
    %min3A_71 = arith.constant 3.000000e+00 : f32
    %min3A_72 = vector.broadcast %min3A_71 : f32 to vector<256x384xf32>
    %min3A_73 = arith.minimumf %div3A, %min3A_72 : vector<256x384xf32>
    %mul3A_74 = arith.mulf %sqrt3A_63, %min3A_73 : vector<256x384xf32>
    %iota3A = tpu.iota {dimensions = array<i32: 1>} : vector<256x384xi32>
    %lt3A = arith.constant 257 : i32
    %lt3A_75 = vector.broadcast %lt3A : i32 to vector<256x384xi32>
    %lt3A_76 = arith.cmpi slt, %iota3A, %lt3A_75 : vector<256x384xi32>
    %jit3A = arith.constant 3.000000e+38 : f32
    %broadcast_in_dim3A_77 = vector.broadcast %jit3A : f32 to vector<256x384xf32>
    %select_n3A = arith.select %lt3A_76, %mul3A_74, %broadcast_in_dim3A_77 : vector<256x384xi1>, vector<256x384xf32>
    %reduce_min3A = arith.constant dense<0x7F800000> : vector<256xf32>
    %reduce_min3A_78 = vector.multi_reduction <minimumf>, %select_n3A, %reduce_min3A [1] : vector<256x384xf32> to vector<256xf32>
    %broadcast_in_dim3A_79 = vector.shape_cast %reduce_min3A_78 : vector<256xf32> to vector<256x1xf32>
    %eq3A = vector.broadcast %broadcast_in_dim3A_79 : vector<256x1xf32> to vector<256x384xf32>
    %eq3A_80 = arith.cmpf oeq, %select_n3A, %eq3A : vector<256x384xf32>
    %jit3A_81 = arith.constant 1073741824 : i32
    %broadcast_in_dim3A_82 = vector.broadcast %jit3A_81 : i32 to vector<256x384xi32>
    %select_n3A_83 = arith.select %eq3A_80, %iota3A, %broadcast_in_dim3A_82 : vector<256x384xi1>, vector<256x384xi32>
    %reduce_min3A_84 = arith.constant dense<2147483647> : vector<256xi32>
    %reduce_min3A_85 = vector.multi_reduction <minsi>, %select_n3A_83, %reduce_min3A_84 [1] : vector<256x384xi32> to vector<256xi32>
    %broadcast_in_dim3A_86 = vector.shape_cast %reduce_min3A_85 : vector<256xi32> to vector<256x1xi32>
    %swap3A = arith.constant 0 : index
    %swap3A_87 = arith.constant 0 : index
    %swap3A_88 = vector.load %arg6[%swap3A, %swap3A_87] : memref<256x1xi32, #tpu.memory_space<vmem>>, vector<256x1xi32>
    tpu.vector_store %arg6[%swap3A, %swap3A_87], %broadcast_in_dim3A_86 {strides = array<i32>} : memref<256x1xi32, #tpu.memory_space<vmem>>, vector<256x1xi32>,
    return
  }
  func.func @transform_0(%arg0: i32) -> (i32, i32) {
    %c0_i32 = arith.constant 0 : i32
    %c0_i32_0 = arith.constant 0 : i32
    return %arg0, %c0_i32 : i32, i32
  }
  func.func @transform_1(%arg0: i32) -> (i32, i32) {
    %c0_i32 = arith.constant 0 : i32
    %c0_i32_0 = arith.constant 0 : i32
    %c0_i32_1 = arith.constant 0 : i32
    return %c0_i32, %c0_i32_0 : i32, i32
  }
  func.func @transform_2(%arg0: i32) -> (i32, i32) {
    %c0_i32 = arith.constant 0 : i32
    %c0_i32_0 = arith.constant 0 : i32
    %c0_i32_1 = arith.constant 0 : i32
    return %c0_i32, %c0_i32_0 : i32, i32
  }
  func.func @transform_3(%arg0: i32) -> (i32, i32) {
    %c0_i32 = arith.constant 0 : i32
    %c0_i32_0 = arith.constant 0 : i32
    %c0_i32_1 = arith.constant 0 : i32
    return %c0_i32, %c0_i32_0 : i32, i32
  }
  func.func @transform_4(%arg0: i32) -> (i32, i32) {
    %c0_i32 = arith.constant 0 : i32
    %c0_i32_0 = arith.constant 0 : i32
    %c0_i32_1 = arith.constant 0 : i32
    return %c0_i32, %c0_i32_0 : i32, i32
  }
  func.func @transform_5(%arg0: i32) -> (i32, i32) {
    %c0_i32 = arith.constant 0 : i32
    %c0_i32_0 = arith.constant 0 : i32
    return %arg0, %c0_i32 : i32, i32
  }
}

module attributes {stable_mosaic.version = 14 : i64} {
  func.func @_embed_body(%arg0: i32, %arg1: memref<256x64xf32, #tpu.memory_space<vmem>>, %arg2: memref<64x64xf32, #tpu.memory_space<vmem>>, %arg3: memref<1x64xf32, #tpu.memory_space<vmem>>, %arg4: memref<1x64xf32, #tpu.memory_space<vmem>>, %arg5: memref<64x64xf32, #tpu.memory_space<vmem>>, %arg6: memref<1x64xf32, #tpu.memory_space<vmem>>, %arg7: memref<256x64xf32, #tpu.memory_space<vmem>>) attributes {dimension_semantics = [#tpu.dimension_semantics<arbitrary>], iteration_bounds = array<i64: 8>, scalar_prefetch = 0 : i64, scratch_operands = 0 : i64, tpu.core_type = #tpu.core_type<tc>, window_params = [{transform_indices = @transform_0, window_bounds = array<i64: 256, 64>}, {pipeline_mode = #tpu.pipeline_mode<synchronous>, transform_indices = @transform_1, window_bounds = array<i64: 64, 64>}, {pipeline_mode = #tpu.pipeline_mode<synchronous>, transform_indices = @transform_2, window_bounds = array<i64: 1, 64>}, {pipeline_mode = #tpu.pipeline_mode<synchronous>, transform_indices = @transform_3, window_bounds = array<i64: 1, 64>}, {pipeline_mode = #tpu.pipeline_mode<synchronous>, transform_indices = @transform_4, window_bounds = array<i64: 64, 64>}, {pipeline_mode = #tpu.pipeline_mode<synchronous>, transform_indices = @transform_5, window_bounds = array<i64: 1, 64>}, {transform_indices = @transform_6, window_bounds = array<i64: 256, 64>}]} {
    %get3A = arith.constant 0 : index
    %get3A_0 = arith.constant 0 : index
    %get3A_1 = vector.load %arg1[%get3A, %get3A_0] : memref<256x64xf32, #tpu.memory_space<vmem>>, vector<256x64xf32>
    %get3A_2 = arith.constant 0 : index
    %get3A_3 = arith.constant 0 : index
    %get3A_4 = vector.load %arg4[%get3A_2, %get3A_3] : memref<1x64xf32, #tpu.memory_space<vmem>>, vector<1x64xf32>
    %get3A_5 = arith.constant 0 : index
    %get3A_6 = arith.constant 0 : index
    %get3A_7 = vector.load %arg5[%get3A_5, %get3A_6] : memref<64x64xf32, #tpu.memory_space<vmem>>, vector<64x64xf32>
    %transpose3A = tpu.transpose %get3A_7, [1, 0] : vector<64x64xf32> -> vector<64x64xf32>
    %dot_general3A = arith.constant dense<0.000000e+00> : vector<1x64xf32>
    %dot_general3A_8 = tpu.matmul %get3A_4, %transpose3A, %dot_general3A {dimension_numbers = #tpu.dot_dimension_numbers<[1], [0], [0], [1], [0, 0, 1, 1], [], []>, precision = #tpu.contract_precision<fp32>, transpose_lhs_hint = false} : vector<1x64xf32>, vector<64x64xf32>, vector<1x64xf32> -> vector<1x64xf32>
    %get3A_9 = arith.constant 0 : index
    %get3A_10 = arith.constant 0 : index
    %get3A_11 = vector.load %arg6[%get3A_9, %get3A_10] : memref<1x64xf32, #tpu.memory_space<vmem>>, vector<1x64xf32>
    %get3A_12 = vector.shape_cast %get3A_11 : vector<1x64xf32> to vector<64xf32>
    %broadcast_in_dim3A = vector.shape_cast %get3A_12 : vector<64xf32> to vector<1x64xf32>
    %add3A = arith.addf %dot_general3A_8, %broadcast_in_dim3A : vector<1x64xf32>
    %get3A_13 = arith.constant 0 : index
    %get3A_14 = arith.constant 0 : index
    %get3A_15 = vector.load %arg2[%get3A_13, %get3A_14] : memref<64x64xf32, #tpu.memory_space<vmem>>, vector<64x64xf32>
    %transpose3A_16 = tpu.transpose %get3A_15, [1, 0] : vector<64x64xf32> -> vector<64x64xf32>
    %dot_general3A_17 = arith.constant dense<0.000000e+00> : vector<256x64xf32>
    %dot_general3A_18 = tpu.matmul %get3A_1, %transpose3A_16, %dot_general3A_17 {dimension_numbers = #tpu.dot_dimension_numbers<[1], [0], [0], [1], [0, 0, 1, 1], [], []>, precision = #tpu.contract_precision<fp32>, transpose_lhs_hint = false} : vector<256x64xf32>, vector<64x64xf32>, vector<256x64xf32> -> vector<256x64xf32>
    %get3A_19 = arith.constant 0 : index
    %get3A_20 = arith.constant 0 : index
    %get3A_21 = vector.load %arg3[%get3A_19, %get3A_20] : memref<1x64xf32, #tpu.memory_space<vmem>>, vector<1x64xf32>
    %get3A_22 = vector.shape_cast %get3A_21 : vector<1x64xf32> to vector<64xf32>
    %broadcast_in_dim3A_23 = vector.shape_cast %get3A_22 : vector<64xf32> to vector<1x64xf32>
    %add3A_24 = vector.broadcast %broadcast_in_dim3A_23 : vector<1x64xf32> to vector<256x64xf32>
    %add3A_25 = arith.addf %dot_general3A_18, %add3A_24 : vector<256x64xf32>
    %squeeze3A = vector.shape_cast %add3A : vector<1x64xf32> to vector<64xf32>
    %broadcast_in_dim3A_26 = vector.shape_cast %squeeze3A : vector<64xf32> to vector<1x64xf32>
    %sub3A = vector.broadcast %broadcast_in_dim3A_26 : vector<1x64xf32> to vector<256x64xf32>
    %sub3A_27 = arith.subf %add3A_25, %sub3A : vector<256x64xf32>
    %swap3A = arith.constant 0 : index
    %swap3A_28 = arith.constant 0 : index
    %swap3A_29 = vector.load %arg7[%swap3A, %swap3A_28] : memref<256x64xf32, #tpu.memory_space<vmem>>, vector<256x64xf32>
    tpu.vector_store %arg7[%swap3A, %swap3A_28], %sub3A_27 {strides = array<i32>} : memref<256x64xf32, #tpu.memory_space<vmem>>, vector<256x64xf32>,
    return
  }
  func.func @transform_0(%arg0: i32) -> (i32, i32) {
    %c0_i32 = arith.constant 0 : i32
    %c0_i32_0 = arith.constant 0 : i32
    return %arg0, %c0_i32 : i32, i32
  }
  func.func @transform_1(%arg0: i32) -> (i32, i32) {
    %c0_i32 = arith.constant 0 : i32
    %c0_i32_0 = arith.constant 0 : i32
    %c0_i32_1 = arith.constant 0 : i32
    return %c0_i32, %c0_i32_0 : i32, i32
  }
  func.func @transform_2(%arg0: i32) -> (i32, i32) {
    %c0_i32 = arith.constant 0 : i32
    %c0_i32_0 = arith.constant 0 : i32
    %c0_i32_1 = arith.constant 0 : i32
    return %c0_i32, %c0_i32_0 : i32, i32
  }
  func.func @transform_3(%arg0: i32) -> (i32, i32) {
    %c0_i32 = arith.constant 0 : i32
    %c0_i32_0 = arith.constant 0 : i32
    %c0_i32_1 = arith.constant 0 : i32
    return %c0_i32, %c0_i32_0 : i32, i32
  }
  func.func @transform_4(%arg0: i32) -> (i32, i32) {
    %c0_i32 = arith.constant 0 : i32
    %c0_i32_0 = arith.constant 0 : i32
    %c0_i32_1 = arith.constant 0 : i32
    return %c0_i32, %c0_i32_0 : i32, i32
  }
  func.func @transform_5(%arg0: i32) -> (i32, i32) {
    %c0_i32 = arith.constant 0 : i32
    %c0_i32_0 = arith.constant 0 : i32
    %c0_i32_1 = arith.constant 0 : i32
    return %c0_i32, %c0_i32_0 : i32, i32
  }
  func.func @transform_6(%arg0: i32) -> (i32, i32) {
    %c0_i32 = arith.constant 0 : i32
    %c0_i32_0 = arith.constant 0 : i32
    return %arg0, %c0_i32 : i32, i32
  }
}

</mosaic_0001>

<sc_bundles>
// kernel: kernel.5.cloned.1.call-start
scs
__scs_entry_jumppad:
0x0: {  	(pc) =	sbr.rel $0x88, $3  }
0x1: {  	(tag) =	ssettag $0x0;
	lr =	simm.s32 $0x1  }
0x2: {  	[smem:$0x3F9B] =	sst lr;
	_ =	strace $0xD0000000  }
0x3: {  	_ = 	snop  }
0x4: {  	_ = 	snop  }
0x5: {  	_ = 	snop  }
0x6: {  	_ = 	snop  }
0x7: {  	_ = 	snop  }
__scs_overlays_trampoline_lowered:
0x8: {  	[smem:$0x3FAA] =	sst s0  }
0x9: {  	[smem:$0x3FAB] =	sst s1  }
0xa: {  	[smem:$0x3FAC] =	sst s2  }
0xb: {  	[smem:$0x3FAD] =	sst s3  }
0xc: {  	[smem:$0x3FAE] =	sst s4  }
0xd: {  	[smem:$0x3FAF] =	sst s5  }
0xe: {  	[smem:$0x3FB0] =	sst s6  }
0xf: {  	[smem:$0x3FB1] =	sst s7  }
0x10: {  	[smem:$0x3FB2] =	sst s8  }
0x11: {  	[smem:$0x3FB3] =	sst s9;
	s0 =	simm.s32 @!p0 $0x0  }
0x12: {  	s1 =	sld [smem:$0x3F99];
	s0 =	simm.s32 @p0 $0x1  }
0x13: {  	[smem:$0x3FB4] =	sst s0;
	s0 =	simm.s32 @!p1 $0x0  }
0x14: {  	s2 =	sld [smem:$0x3F98];
	s0 =	simm.s32 @p1 $0x1  }
0x15: {  	[smem:$0x3FB5] =	sst s0;
	s0 =	simm.s32 @!p2 $0x0  }
0x16: {  	s3 =	sld [smem:$0x3FDB];
	s0 =	simm.s32 @p2 $0x1  }
0x17: {  	s4 =	simm.s32 $0x1BF5;
	[smem:$0x3FB7] =	sst s0  }
0x18: {  	s0 =	sld [smem:$0x3F9A];
	_ =	swait.ge [sflag:s4], $0x0  }
0x19: {  	s7 =	sld [smem:$0x3F9B]  }
0x1a: {  	s8 =	sadd.s32 $0xFFFFE003, lr  }
0x1b: {  	s9 =	sadd.s32 $0xFFFFFEF7, lr;
	s5 =	simm.s32 $0xFFFFFFFF;
	p2 =	slt.u32 s8, $0xFFFFF086  }
0x1c: {  	p1 =	slt.u32 s9, $0xF7A;
	s5 =	simm.s32 @!p2 $0x0  }
0x1d: {  	s5 =	simm.s32 @p1 $0x1;
	p0 =	seq.s32 s7, s2  }
0x1e: {  	s7 =	smul.u32 @!p0 $0xF7A, s2;
	p2 =	seq.s32 @!p0 s5, $0x0  }
0x1f: {  	s9 =	smul.u32 $0xF7A, s1;
	s8 =	simm.s32 @!p0 $0x1BF5;
	p2 =	por !p2, p0  }
0x20: {  	[sflag:s8] =	ssyncset.s32 @!p0 $0xFFFFF086;
	s6 =	sadd.s32 @!p0 s3, s7;
	s7 =	simm.s32 @!p0 $0x108  }
0x21: {  	s3 =	sadd.s32 s3, s9;
	s6 =	sadd.s32 @!p0 $0x88, s6;
	s7 =	simm.s32 @p2 $0x1082  }
0x22: {  	[simem:s7], [sflag:s8] =	dma.local @!p0 [hbm:s6], $0xF7A  }
0x23: {  	s9 =	sor.u32 $0xD0000000, s2;
	s6 =	simm.s32 $0x108;
	_ =	swait.ge @!p0 [sflag:s8], $0x0  }
0x24: {  	s3 =	sadd.s32 $0x88, s3;
	s6 =	simm.s32 @!p1 $0x1082;
	[sflag:s4] =	ssyncset.s32 $0xFFFFF086  }
0x25: {  	[simem:s6], [sflag:s4] =	dma.local [hbm:s3], $0xF7A  }
0x26: {  	[smem:$0x3F9B] =	sst s1;
	(tag) =	ssettag s2;
	_ =	strace s9  }
0x27: {  	s1 =	sld [smem:$0x3FAB]  }
0x28: {  	s2 =	sld [smem:$0x3FAC]  }
0x29: {  	s4 =	sld [smem:$0x3FAE]  }
0x2a: {  	p0 =	seq.s32 s5, $0x0;
	s5 =	sld [smem:$0x3FAF]  }
0x2b: {  	s6 =	sld [smem:$0x3FB0]  }
0x2c: {  	s7 =	sld [smem:$0x3FB1]  }
0x2d: {  	s3 =	simm.s32 $0x108;
	s8 =	sld [smem:$0x3FB2]  }
0x2e: {  	s3 =	simm.s32 @!p0 $0x1082;
	s9 =	sld [smem:$0x3FB3]  }
0x2f: {  	lr =	sadd.s32 s0, s3;
	s0 =	sld [smem:$0x3FAA]  }
0x30: {  	s3 =	sld [smem:$0x3FAD]  }
0x31: {  	[smem:$0x3FB6] =	sst s10  }
0x32: {  	s10 =	sld [smem:$0x3FB4];
	_ =	sdelay $0x3  }
0x33: {  	p0 =	seq.s32 s10, $0x1;
	s10 =	sld [smem:$0x3FB6];
	_ =	sdelay $0x3  }
0x34: {  	[smem:$0x3FB6] =	sst s10  }
0x35: {  	s10 =	sld [smem:$0x3FB5];
	_ =	sdelay $0x3  }
0x36: {  	p1 =	seq.s32 s10, $0x1;
	s10 =	sld [smem:$0x3FB6];
	_ =	sdelay $0x3  }
0x37: {  	[smem:$0x3FB6] =	sst s10  }
0x38: {  	s10 =	sld [smem:$0x3FB7]  }
0x39: {  	_ = 	snop;
	(pc) =	sbr.ind lr, $3  }
0x3a: {  	_ = 	snop  }
0x3b: {  	_ = 	snop  }
0x3c: {  	p2 =	seq.s32 s10, $0x1;
	s10 =	sld [smem:$0x3FB6]  }
0x3d: {  	_ =	shalt  }
0x3e: {  	_ =	shalt  }
0x3f: {  	_ =	shalt  }
0x40: {  	_ =	shalt  }
0x41: {  	_ =	shalt  }
0x42: {  	_ =	shalt  }
0x43: {  	_ =	shalt  }
0x44: {  	_ =	shalt  }
0x45: {  	_ =	shalt  }
0x46: {  	_ =	shalt  }
0x47: {  	_ =	shalt  }
0x48: {  	_ =	shalt  }
0x49: {  	_ =	shalt  }
0x4a: {  	_ =	shalt  }
0x4b: {  	_ =	shalt  }
0x4c: {  	_ =	shalt  }
0x4d: {  	_ =	shalt  }
0x4e: {  	_ =	shalt  }
0x4f: {  	_ =	shalt  }
0x50: {  	_ =	shalt  }
0x51: {  	_ =	shalt  }
0x52: {  	_ =	shalt  }
0x53: {  	_ =	shalt  }
0x54: {  	_ =	shalt  }
0x55: {  	_ =	shalt  }
0x56: {  	_ =	shalt  }
0x57: {  	_ =	shalt  }
0x58: {  	_ =	shalt  }
0x59: {  	_ =	shalt  }
0x5a: {  	_ =	shalt  }
0x5b: {  	_ =	shalt  }
0x5c: {  	_ =	shalt  }
0x5d: {  	_ =	shalt  }
0x5e: {  	_ =	shalt  }
0x5f: {  	_ =	shalt  }
0x60: {  	_ =	shalt  }
0x61: {  	_ =	shalt  }
0x62: {  	_ =	shalt  }
0x63: {  	_ =	shalt  }
0x64: {  	_ =	shalt  }
0x65: {  	_ =	shalt  }
0x66: {  	_ =	shalt  }
0x67: {  	_ =	shalt  }
0x68: {  	_ =	shalt  }
0x69: {  	_ =	shalt  }
0x6a: {  	_ =	shalt  }
0x6b: {  	_ =	shalt  }
0x6c: {  	_ =	shalt  }
0x6d: {  	_ =	shalt  }
0x6e: {  	_ =	shalt  }
0x6f: {  	_ =	shalt  }
0x70: {  	_ =	shalt  }
0x71: {  	_ =	shalt  }
0x72: {  	_ =	shalt  }
0x73: {  	_ =	shalt  }
0x74: {  	_ =	shalt  }
0x75: {  	_ =	shalt  }
0x76: {  	_ =	shalt  }
0x77: {  	_ =	shalt  }
0x78: {  	_ =	shalt  }
0x79: {  	_ =	shalt  }
0x7a: {  	_ =	shalt  }
0x7b: {  	_ =	shalt  }
0x7c: {  	_ =	shalt  }
0x7d: {  	_ =	shalt  }
0x7e: {  	_ =	shalt  }
0x7f: {  	_ =	shalt  }
0x80: {  	_ =	shalt  }
0x81: {  	_ =	shalt  }
0x82: {  	_ =	shalt  }
0x83: {  	_ =	shalt  }
0x84: {  	_ =	shalt  }
0x85: {  	_ =	shalt  }
0x86: {  	_ =	shalt  }
0x87: {  	_ =	shalt  }
.Lfunc_end0:
.L_simem_size_0:
called_computation_lowered:
.L_overlay_start_0:
0x88: {  	s2 =	sld [smem:$0x3FD9]  }
0x89: {  	s3 =	sld [smem:$0x3FFE];
	_ =	sdelay $0x1  }
0x8a: {  	s1 =	srdreg.scid  }
0x8b: {  	s0 =	sand.u32 $0x1, s1  }
0x8c: {  	s17 =	sshll.u32 s0, $0xA;
	s2 =	sadd.s32 s3, s2  }
0x8d: {  	s2 =	sadd.s32 s2, s17  }
0x8e: {  	[smem:$0x3FC2] =	sst s2  }
0x8f: {  	_ = 	snop  }
0x90: {  	s2 =	sld [smem:$0x3FD0];
	(tm) =	ssettm $0x1  }
0x91: {  	s18 =	sld [smem:$0x3FFB];
	_ =	sdelay $0x3  }
0x92: {  	_ =	strace s18  }
0x93: {  	s3 =	sld [smem:$0x3FFC];
	_ =	sdelay $0x3  }
0x94: {  	_ =	strace s3  }
0x95: {  	s3 =	sld [smem:$0x3FFD];
	_ =	sdelay $0x3  }
0x96: {  	_ =	strace s3  }
0x97: {  	_ =	strace $0x8FFFFFFF  }
0x98: {  	s19 =	sld [smem:$0x3FDB];
	_ =	sdelay $0x1  }
0x99: {  	s4 =	simm.s32 $_scs_section_size  }
0x9a: {  	s5 =	simm.s32 $_size__tile_overlayer_lowered;
	s6 =	simm.s32 $_tile_overlayer_lowered  }
0x9b: {  	s22 =	simm.s32 $0x1BFF;
	s21 =	sshll.u32 s6, $0x1;
	s3 =	sadd.s32 s4, s19  }
0x9c: {  	s7 =	simm.s32 $0x0;
	s20 =	sshll.u32 s5, $0x1;
	s5 =	sadd.s32 s21, s3  }
0x9d: {  	[timem:s7], [sflag:s22] =	dma.local [hbm:s5], s20  }
0x9e: {  	_ =	swait.ge [sflag:s22], s20  }
0x9f: {  	s4 =	ssub.s32 $0x0, s20;
	[sflag:s22] =	ssyncset.done $0x0  }
0xa0: {  	[sflag:s22] =	ssyncadd.s32 s4;
	_ =	sdelay $0x1  }
0xa1: {  	s23 =	simm.s32 $0x1B8B  }
0xa2: {  	_ =	swait.ge [sflag:s23], $0x1  }
0xa3: {  	[sflag:s23] =	ssyncset.done $0x0  }
0xa4: {  	s25 =	simm.s32 $0x1B8E;
	s24 =	sld [smem:$0x3FFE];
	[sflag:s23] =	ssyncadd.s32 $0xFFFFFFFF  }
0xa5: {  	s26 =	simm.s32 $execute0_lowered;
	[smem:$0x3FD2] =	sst s25  }
0xa6: {  	s5 =	sshll.u32 s26, $0x1;
	_ =	strace $0x80000046;
	[dreg:$0x1] =	wrdreg $0xFFFFFFFF  }
0xa7: {  	s28 =	simm.s32 $_size_execute0_lowered;
	s3 =	sadd.s32 s3, s5;
	[dreg:$0x0] =	wrdreg $0x0  }
0xa8: {  	s5 =	sshll.u32 s28, $0x1;
	[dreg:$0x2] =	wrdreg s3  }
0xa9: {  	[dreg:$0x3] =	wrdreg s5  }
0xaa: {  	[dreg:$0x4] =	wrdreg $0xC0  }
0xab: {  	_ =	task [dreg:s7], $0x5FFFF  }
0xac: {  	[dreg:$0x1] =	wrdreg $0xFFFFFFFF  }
0xad: {  	[dreg:$0x0] =	wrdreg $0x60  }
0xae: {  	[dreg:$0x2] =	wrdreg s24  }
0xaf: {  	[dreg:$0x3] =	wrdreg s2  }
0xb0: {  	[dreg:$0x4] =	wrdreg $0x9  }
0xb1: {  	_ =	task.clear_ibuf [dreg:s7], $0x5FFFF;
	_ =	strace $0x90000046  }
0xb2: {  	s29 =	simm.s32 $0x9;
	_ =	strace $0x80000048  }
0xb3: {  	_ =	swait.ge [sflag:s29], $0x1  }
0xb4: {  	[sflag:s29] =	ssyncadd.s32 $0xFFFFFFFF  }
0xb5: {  	_ =	strace $0x90000048  }
0xb6: {  	_ =	sfence  }
0xb7: {  	s30 =	sld [smem:$0x0];
	_ =	sdelay $0x2  }
0xb8: {  	s31 =	sshll.u32 s1, $0xD;
	s1 =	sshrl.u32 s1, $0x2  }
0xb9: {  	s3 =	sand.u32 $0x4000, s31;
	s1 =	sadd.s32 s1, s30  }
0xba: {  	s0 =	sor.u32 s3, s0;
	s1 =	sshll.u32 s1, $0x11  }
0xbb: {  	s0 =	sor.u32 s1, s0  }
0xbc: {  	s0 =	sadd.s32 $0x8F2B, s0  }
0xbd: {  	[sflag:s0] =	ssyncadd.remote.s32 $0x1  }
0xbe: {  	_ =	sfence.sel $0xFFFF  }
0xbf: {  	[dreg:$0x0] =	wrdreg $0xFFFFFFFF;
	(pc) =	sbr.abs _section_cstart, $3  }
0xc0: {  	[dreg:$0x1] =	wrdreg $0xFFFFFFFF  }
0xc1: {  	_ =	task.clear_ibuf [dreg:s7], $0x2FFFF;
	_ =	strace $0x9FFFFFFF  }
0xc2: {  	(tm) =	ssettm $0x7FFFFFFF  }
0xc3: {  	_ =	shalt  }
tec
execute0_lowered:
.L_overlay_start_1:
0x0: {  	(tag) =	ssettag $0x1  }
0x1: {  	s3 =	rddreg [dreg:$0x0];
	s1 =	srdreg.scid  }
0x2: {  	s0 =	stileid.u32;
	s5 =	rddreg [dreg:$0x1]  }
0x3: {  	s2 =	simm.s32 $0x0;
	s10 =	simm.s32 $0x3;
	s11 =	simm.s32 $0x0  }
0x4: {  	s4 =	sand.u32 $0x1, s1;
	s6 =	sshll.u32 s0, $0x1;
	[smem:$0x7FF] =	sst s2  }
0x5: {  	s1 =	rddreg [dreg:$0x2];
	s6 =	sor.u32 s4, s6;
	_ =	strace $0x80000047  }
0x6: {  	s4 =	ssub.s32 $0x2, s4;
	s7 =	smul.u32 $0xA00, s6;
	s8 =	sshll.u32 s6, $0x3  }
0x7: {  	s9 =	sshrl.u32 s4, $0x1;
	s6 =	sshll.u32 s6, $0x9;
	s8 =	sadd.s32 s8, s3  }
0x8: {  	s9 =	ssub.s32 s4, s9;
	s5 =	sadd.s32 s5, s6;
	s7 =	sadd.s32 s7, s3  }
0x9: {  	v0 =	vimm.s32 $0x0;
	v1 =	vlaneseq.u32;
	s4 =	sadd.s32 $0x14A00, s8;
	s6 =	smax.u32 s9, $0x1;
	s8 =	simm.s32 $0x1  }
0xa: {  	v2 =	vor.u32 $0x10, v1;
	v3 =	vor.u32 $0x20, v1;
	v4 =	vor.u32 $0x30, v1;
	s9 =	simm.s32 $0x5080;
	s3 =	sadd.s32 $0xA00, s7;
	s7 =	simm.s32 $0x2  }
.LBB2_1:
0xb: {  	[tilespmem:s2], [sflag:$0x1] =	stream.linear.gather [hbm4b:s3+s2], $0x5000, $0x38;
	[tilespmem:$0x6080] =	vst v63  }
0xc: {  	s12 =	simm.s32 $0x5000  }
0xd: {  	[tilespmem:s12], [sflag:$0x2] =	stream.linear.gather [hbm4b:s4+s2], $0x40, $0x38;
	[tilespmem:$0x6080] =	vst v63  }
0xe: {  	_ =	swait.ge [sflag:s7], $0x40  }
0xf: {  	[sflag:s7] =	ssyncset.done $0x0  }
0x10: {  	[sflag:s7] =	ssyncadd.s32 $0xFFFFFFC0  }
0x11: {  	_ =	swait.ge [sflag:s8], $0x5000  }
0x12: {  	[sflag:s8] =	ssyncset.done $0x0  }
0x13: {  	[sflag:s8] =	ssyncadd.s32 $0xFFFFB000  }
0x14: {  	v5 =	vld [tilespmem:s12+$0x0];
	_ =	sdelay $0x4  }
0x15: {  	v5 =	vperm.xlane v5, v0;
	_ =	sdelay $0x1  }
0x16: {  	v5 =	vadd.s32 s2, v5  }
0x17: {  	v6 =	vadd.s32 v1, v5;
	_ =	sdelay $0x4  }
0x18: {  	v6 =	vld.idx.msk [tilespmem:v6+s2+$0x0], $0xffff  }
0x19: {  	v7 =	vadd.s32 v2, v5;
	_ =	sdelay $0x2  }
0x1a: {  	s13 =	simm.s32 $0x50A0  }
0x1b: {  	[tilespmem:s13+$0xFFFFFFE0] =	vst v6  }
0x1c: {  	v6 =	vld.idx.msk [tilespmem:v7+s2+$0x0], $0xffff  }
0x1d: {  	v7 =	vadd.s32 v3, v5;
	_ =	sdelay $0x3  }
0x1e: {  	[tilespmem:s13+$0xFFFFFFF0] =	vst v6  }
0x1f: {  	v6 =	vld.idx.msk [tilespmem:v7+s2+$0x0], $0xffff  }
0x20: {  	v5 =	vadd.s32 v4, v5;
	_ =	sdelay $0x3  }
0x21: {  	[tilespmem:s13+$0x0] =	vst v6  }
0x22: {  	s14 =	simm.s32 $0x140;
	v5 =	vld.idx.msk [tilespmem:v5+s2+$0x0], $0xffff  }
.LBB2_2:
0x23: {  	_ =	sdelay $0x3  }
0x24: {  	p0 =	sne.s32 s14, $0x4EC0;
	s12 =	sadd.s32 $0x1, s12;
	[tilespmem:s13+$0x10] =	vst v5;
	s13 =	sadd.s32 $0x40, s13  }
0x25: {  	s15 =	smov.u32 s14;
	s14 =	sadd.s32 $0x140, s14;
	v5 =	vld [tilespmem:s12+$0x0];
	_ =	sdelay $0x4  }
0x26: {  	v5 =	vperm.xlane v5, v0;
	_ =	sdelay $0x1  }
0x27: {  	v5 =	vadd.s32 s15, v5  }
0x28: {  	v6 =	vadd.s32 v1, v5;
	_ =	sdelay $0x4  }
0x29: {  	v6 =	vld.idx.msk [tilespmem:v6+s2+$0x0], $0xffff;
	_ =	sdelay $0x1  }
0x2a: {  	v7 =	vadd.s32 v2, v5;
	_ =	sdelay $0x3  }
0x2b: {  	[tilespmem:s13+$0xFFFFFFE0] =	vst v6  }
0x2c: {  	v6 =	vld.idx.msk [tilespmem:v7+s2+$0x0], $0xffff;
	_ =	sdelay $0x1  }
0x2d: {  	v7 =	vadd.s32 v3, v5;
	_ =	sdelay $0x3  }
0x2e: {  	[tilespmem:s13+$0xFFFFFFF0] =	vst v6  }
0x2f: {  	v6 =	vld.idx.msk [tilespmem:v7+s2+$0x0], $0xffff;
	_ =	sdelay $0x1  }
0x30: {  	v5 =	vadd.s32 v4, v5  }
.Ltmp0:
0x31: {  	(pc) =	sbr.rel @p0 .LBB2_2-.Ltmp0, $3  }
0x32: {  	_ =	sdelay $0x1  }
0x33: {  	[tilespmem:s13+$0x0] =	vst v6  }
0x34: {  	v5 =	vld.idx.msk [tilespmem:v5+s2+$0x0], $0xffff  }
0x35: {  	_ =	sdelay $0x1  }
0x36: {  	s11 =	sadd.s32 $0x1, s11  }
0x37: {  	p0 =	sne.s32 s11, s6  }
.Ltmp1:
0x38: {  	[tilespmem:s13+$0x10] =	vst v5;
	(pc) =	sbr.rel @p0 .LBB2_1-.Ltmp1, $4  }
0x39: {  	[hbm4b:s5+s2] =	stream.linear.scatter [tilespmem:s9], [sflag:$0x3], $0x1000, $0x38;
	[tilespmem:$0x6080] =	vst v63  }
0x3a: {  	_ =	swait.ge [sflag:s10], $0x1000  }
0x3b: {  	[sflag:s10] =	ssyncset.done $0x0  }
0x3c: {  	[sflag:s10] =	ssyncadd.s32 $0xFFFFF000  }
0x3d: {  	_ =	sfence.sel $0x180000  }
0x3e: {  	[bflag:$0x0] =	sbarrier.arrive $0xFFFF  }
0x3f: {  	p0 =	sne.s32 s0, $0x0;
	_ =	strace $0x90000047  }
0x40: {  	s0 =	sadd.s32 @!p0 $0x100000, s1;
	[bflag:$0x2] =	sbarrier.arrive $0xFFFF  }
0x41: {  	[sflag:s0] =	ssyncadd.tile.s32 @!p0 $0x1;
	_ =	shalt  }
.Lfunc_end2:
_tile_overlayer_lowered:
.L_overlay_start_2:
0x42: {  	(tag) =	ssettag $0x2  }
0x43: {  	s0 =	rddreg [dreg:$0x0];
	s2 =	stileid.u32  }
0x44: {  	s1 =	rddreg [dreg:$0x1];
	p0 =	sne.s32 s2, $0x0  }
0x45: {  	s3 =	rddreg [dreg:$0x2];
	[bflag:$0x3] =	sbarrier.arrive $0xFFFF;
	s2 =	simm.s32 @!p0 $0x1C03  }
0x46: {  	[timem:s3], [sflag:s2] =	dma.local @!p0 [hbm:s0], s1  }
0x47: {  	s0 =	simm.s32 @!p0 $0x3  }
0x48: {  	_ =	swait.ge @!p0 [sflag:s0], s1  }
0x49: {  	s1 =	ssub.s32 @!p0 $0x0, s1;
	[sflag:s0] =	ssyncset.done @!p0 $0x0  }
0x4a: {  	[sflag:s0] =	ssyncadd.s32 @!p0 s1  }
0x4b: {  	[bflag:$0x3] =	sbarrier.arrive $0xFFFF  }
0x4c: {  	_ =	shalt  }

</sc_bundles>
